<compile_context>
chip_gen: v7x
topology: tpu7x:2x2x1
jax: 0.10.2.dev20260603
libtpu: 0.0.44.dev20260713+nightly
codegen_flags: <defaults>
</compile_context>

<pallas_src>
import functools

import jax
import jax.numpy as jnp
from jax import lax
from jax.experimental import pallas as pl
from jax.experimental.pallas import tpu as pltpu
from jax.experimental.pallas import tpu_sc as plsc

_N_NODES = 100000
_N_EDGES = 6400000
_PAD_NODES = 102400
_LANES = 16

_NW = 32
_C = 5120
_CHUNKS = _N_EDGES // _C
_MAX_PAIRS = (_CHUNKS // _NW + 2) // 2
_TBL = 100096


def _sigmoid_table(attn_log_logits):
    x = jnp.pad(attn_log_logits.reshape(-1), (0, _PAD_NODES - _N_NODES))
    x = x.reshape(800, 128)

    def body(x_ref, o_ref):
        o_ref[...] = jax.nn.sigmoid(x_ref[...])

    out = pl.pallas_call(
        body,
        out_shape=jax.ShapeDtypeStruct((800, 128), jnp.float32),
    )(x)
    return out.reshape(-1)


def _edge_attn_sc(table, edge_index):
    mesh = plsc.VectorSubcoreMesh(core_axis_name="c", subcore_axis_name="s")

    @functools.partial(
        pl.kernel,
        mesh=mesh,
        compiler_params=pltpu.CompilerParams(needs_layout_passes=False),
        out_type=jax.ShapeDtypeStruct((_N_EDGES,), jnp.float32),
        scratch_types=[
            pltpu.VMEM((_TBL,), jnp.float32),
            pltpu.VMEM((2, _C), jnp.int32),
            pltpu.VMEM((2, _C), jnp.int32),
            pltpu.VMEM((_C,), jnp.float32),
            pltpu.VMEM((_C,), jnp.float32),
            pltpu.SemaphoreType.DMA,
            pltpu.SemaphoreType.DMA,
            pltpu.SemaphoreType.DMA,
            pltpu.SemaphoreType.DMA,
        ],
    )
    def k(table_hbm, edges_hbm, out_hbm, table_v,
          e0, e1, o0, o1, smi0, smi1, smo0, smo1):
        wid = lax.axis_index("s") * 2 + lax.axis_index("c")
        e, o = (e0, e1), (o0, o1)
        smi, smo = (smi0, smi1), (smo0, smo1)

        def start_in(c, b):
            pltpu.async_copy(
                edges_hbm.at[:, pl.ds(c * _C, _C)], e[b], smi[b])

        def wait_in(b):
            pltpu.make_async_copy(
                edges_hbm.at[:, pl.ds(0, _C)], e[b], smi[b]).wait()

        def wait_out(b):
            pltpu.make_async_copy(
                o[b], out_hbm.at[pl.ds(0, _C)], smo[b]).wait()

        start_in(wid, 0)
        start_in(wid + _NW, 1)
        pltpu.sync_copy(table_hbm.at[pl.ds(0, _TBL)], table_v)

        def pair_body(p, carry):
            for b in range(2):
                j = p * 2 + b
                c = wid + j * _NW

                @pl.when(c < _CHUNKS)
                def _():
                    wait_in(b)

                    @pl.when(j >= 2)
                    def _():
                        wait_out(b)

                    @plsc.parallel_loop(0, _C, step=_LANES, unroll=16)
                    def _(off):
                        s = e[b][0, pl.ds(off, _LANES)]
                        sv = plsc.load_gather(table_v, [s])
                        o[b][pl.ds(off, _LANES)] = sv

                    pltpu.async_copy(
                        o[b], out_hbm.at[pl.ds(c * _C, _C)], smo[b])

                    @pl.when(c + 2 * _NW < _CHUNKS)
                    def _():
                        start_in(c + 2 * _NW, b)
            return carry

        lax.fori_loop(0, _MAX_PAIRS, pair_body, 0)
        wait_out(0)
        wait_out(1)

    return k(table, edge_index)


def kernel(attn_log_logits, edge_index):
    table = _sigmoid_table(attn_log_logits)
    out = _edge_attn_sc(table, edge_index)
    return out.reshape(_N_EDGES, 1)

# --- scband reference (transcript-rebuilt; emitter-appended) ---
"""Pipeline reference for scband-lribern-71554155151369 (READ-ONLY COPY).

The authoritative reference and input builder live on the scoring server;
editing this copy changes nothing except your own understanding.
"""

import jax, jax.numpy as jnp
import numpy as np

N_NODES = 100000
N_EDGES = 6400000
TEMPERATURE = 1.0


def setup_inputs(seed: int = 0) -> dict:
    key = jax.random.key(seed)
    k1, k2 = jax.random.split(key)
    attn_log_logits = jax.random.normal(k1, (N_NODES, 1), dtype=jnp.float32)
    edge_index = jax.random.randint(k2, (2, N_EDGES), 0, N_NODES, dtype=jnp.int32)
    return {"attn_log_logits": attn_log_logits, "edge_index": edge_index}


def reference(attn_log_logits, edge_index):
    # LRIBern.sampling with do_sampling=False (deterministic eval path):
    #   attn_bern = attn_log_logits.sigmoid()
    ver_attn = jax.nn.sigmoid(attn_log_logits)
    # LRIBern.node_attn_to_edge_attn(src_attn, dst_attn, edge_index):
    #   src_attn = src_attn[edge_index[0]]; dst_attn = dst_attn[edge_index[1]]
    #   edge_attn = src_attn * dst_attn
    src_attn = jnp.take(ver_attn, edge_index[0], axis=0)
    dst_attn = jnp.take(ver_attn, edge_index[1], axis=0)
    edge_attn = src_attn * dst_attn
    return edge_attn


if False:  # reference __main__ guard neutralized (emitter)
    inp = setup_inputs()
    out = reference(**inp)
    print(out.shape, out.dtype)

if __name__ == "__main__":
    import jax
    _d = setup_inputs()
    print(jax.jit(kernel)(*tuple(_d.values())))

</pallas_src>

<mosaic_0001>
#map = affine_map<(d0, d1) -> (0)>
#map1 = affine_map<(d0, d1) -> (0, 0)>
module attributes {stable_mosaic.version = 14 : i64} {
  func.func @k(%arg0: i32, %arg1: i32, %arg2: memref<102400xf32, #tpu.memory_space<hbm>>, %arg3: memref<2x6400000xi32, #tpu.memory_space<hbm>>, %arg4: memref<6400000xf32, #tpu.memory_space<hbm>>, %arg5: memref<100096xf32, #tpu.memory_space<vmem>>, %arg6: memref<2x5120xi32, #tpu.memory_space<vmem>>, %arg7: memref<2x5120xi32, #tpu.memory_space<vmem>>, %arg8: memref<5120xf32, #tpu.memory_space<vmem>>, %arg9: memref<5120xf32, #tpu.memory_space<vmem>>, %arg10: memref<!tpu.dma_semaphore, #tpu.memory_space<semaphore_mem>>, %arg11: memref<!tpu.dma_semaphore, #tpu.memory_space<semaphore_mem>>, %arg12: memref<!tpu.dma_semaphore, #tpu.memory_space<semaphore_mem>>, %arg13: memref<!tpu.dma_semaphore, #tpu.memory_space<semaphore_mem>>) attributes {dimension_semantics = [#tpu.dimension_semantics<core_parallel>, #tpu.dimension_semantics<subcore_parallel>], iteration_bounds = array<i64: 2, 16>, scalar_prefetch = 0 : i64, scratch_operands = 9 : i64, tpu.core_type = #tpu.core_type<sc_vector_subcore>, window_params = [{transform_indices = #map}, {transform_indices = #map1}, {transform_indices = #map}]} {
    %mul3A = arith.constant 2 : i32
    %mul3A_0 = arith.muli %arg1, %mul3A : i32
    %add3A = arith.addi %mul3A_0, %arg0 : i32
    %mul3A_1 = arith.constant 5120 : i32
    %mul3A_2 = arith.muli %add3A, %mul3A_1 : i32
    %dma_start3A = arith.constant 0 : i32
    %dma_start3A_3 = tpu.memref_slice %arg3[%dma_start3A, %mul3A_2] : memref<2x6400000xi32, #tpu.memory_space<hbm>> -> memref<2x5120xi32, #tpu.memory_space<hbm>>
    %dma_start3A_4 = arith.constant 0 : i32
    %dma_start3A_5 = tpu.memref_slice %arg3[%dma_start3A_4, %mul3A_2] : memref<2x6400000xi32, #tpu.memory_space<hbm>> -> memref<2x5120xi32, #tpu.memory_space<hbm>>
    tpu.enqueue_dma source(%dma_start3A_5 : memref<2x5120xi32, #tpu.memory_space<hbm>>) target(%arg6 : memref<2x5120xi32, #tpu.memory_space<vmem>>) target_semaphore(%arg10 : memref<!tpu.dma_semaphore, #tpu.memory_space<semaphore_mem>>)
    %add3A_6 = arith.constant 32 : i32
    %add3A_7 = arith.addi %add3A, %add3A_6 : i32
    %mul3A_8 = arith.constant 5120 : i32
    %mul3A_9 = arith.muli %add3A_7, %mul3A_8 : i32
    %dma_start3A_10 = arith.constant 0 : i32
    %dma_start3A_11 = tpu.memref_slice %arg3[%dma_start3A_10, %mul3A_9] : memref<2x6400000xi32, #tpu.memory_space<hbm>> -> memref<2x5120xi32, #tpu.memory_space<hbm>>
    %dma_start3A_12 = arith.constant 0 : i32
    %dma_start3A_13 = tpu.memref_slice %arg3[%dma_start3A_12, %mul3A_9] : memref<2x6400000xi32, #tpu.memory_space<hbm>> -> memref<2x5120xi32, #tpu.memory_space<hbm>>
    tpu.enqueue_dma source(%dma_start3A_13 : memref<2x5120xi32, #tpu.memory_space<hbm>>) target(%arg7 : memref<2x5120xi32, #tpu.memory_space<vmem>>) target_semaphore(%arg11 : memref<!tpu.dma_semaphore, #tpu.memory_space<semaphore_mem>>)
    "tpu.region"() ({
      %run_scoped3A = tpu.sem_alloc : memref<!tpu.dma_semaphore, #tpu.memory_space<semaphore_mem>>
      %dma_start3A_26 = arith.constant 0 : i32
      %dma_start3A_27 = tpu.memref_slice %arg2[%dma_start3A_26] : memref<102400xf32, #tpu.memory_space<hbm>> -> memref<100096xf32, #tpu.memory_space<hbm>>
      %dma_start3A_28 = arith.constant 0 : i32
      %dma_start3A_29 = tpu.memref_slice %arg2[%dma_start3A_28] : memref<102400xf32, #tpu.memory_space<hbm>> -> memref<100096xf32, #tpu.memory_space<hbm>>
      tpu.enqueue_dma source(%dma_start3A_29 : memref<100096xf32, #tpu.memory_space<hbm>>) target(%arg5 : memref<100096xf32, #tpu.memory_space<vmem>>) target_semaphore(%run_scoped3A : memref<!tpu.dma_semaphore, #tpu.memory_space<semaphore_mem>>)
      %dma_wait3A_30 = arith.constant 0 : i32
      %dma_wait3A_31 = tpu.memref_slice %arg2[%dma_wait3A_30] : memref<102400xf32, #tpu.memory_space<hbm>> -> memref<100096xf32, #tpu.memory_space<hbm>>
      %dma_wait3A_32 = arith.constant 0 : i32
      %dma_wait3A_33 = tpu.memref_slice %arg2[%dma_wait3A_32] : memref<102400xf32, #tpu.memory_space<hbm>> -> memref<100096xf32, #tpu.memory_space<hbm>>
      tpu.wait_dma2 semaphore(%run_scoped3A : memref<!tpu.dma_semaphore, #tpu.memory_space<semaphore_mem>>) src(%dma_wait3A_33 : memref<100096xf32, #tpu.memory_space<hbm>>) dst(%arg5 : memref<100096xf32, #tpu.memory_space<vmem>>)
      tpu.yield
    }) : () -> ()
    %scan3A = arith.constant 0 : i32
    %scan3A_14 = arith.constant 0 : i32
    %scan3A_15 = arith.constant 20 : i32
    %scan3A_16 = arith.addi %scan3A_14, %scan3A_15 : i32
    %scan3A_17 = arith.constant 1 : i32
    scf.for %scan3A_26 = %scan3A_14 to %scan3A_16 step %scan3A_17  : i32 {
      %mul3A_27 = arith.constant 2 : i32
      %mul3A_28 = arith.muli %scan3A_26, %mul3A_27 : i32
      %add3A_29 = arith.constant 0 : i32
      %add3A_30 = arith.addi %mul3A_28, %add3A_29 : i32
      %mul3A_31 = arith.constant 32 : i32
      %mul3A_32 = arith.muli %add3A_30, %mul3A_31 : i32
      %add3A_33 = arith.addi %add3A, %mul3A_32 : i32
      %lt3A = arith.constant 1250 : i32
      %lt3A_34 = arith.cmpi slt, %add3A_33, %lt3A : i32
      %convert_element_type3A = arith.extui %lt3A_34 : i1 to i32
      %cond3A = arith.constant 0 : i32
      %cond3A_35 = arith.cmpi ne, %convert_element_type3A, %cond3A : i32
      scf.if %cond3A_35 {
        %dma_wait3A_48 = arith.constant 0 : i32
        %dma_wait3A_49 = arith.constant 0 : i32
        %dma_wait3A_50 = tpu.memref_slice %arg3[%dma_wait3A_48, %dma_wait3A_49] : memref<2x6400000xi32, #tpu.memory_space<hbm>> -> memref<2x5120xi32, #tpu.memory_space<hbm>>
        %dma_wait3A_51 = arith.constant 0 : i32
        %dma_wait3A_52 = arith.constant 0 : i32
        %dma_wait3A_53 = tpu.memref_slice %arg3[%dma_wait3A_51, %dma_wait3A_52] : memref<2x6400000xi32, #tpu.memory_space<hbm>> -> memref<2x5120xi32, #tpu.memory_space<hbm>>
        tpu.wait_dma2 semaphore(%arg10 : memref<!tpu.dma_semaphore, #tpu.memory_space<semaphore_mem>>) src(%dma_wait3A_53 : memref<2x5120xi32, #tpu.memory_space<hbm>>) dst(%arg6 : memref<2x5120xi32, #tpu.memory_space<vmem>>)
        %ge3A = arith.constant 2 : i32
        %ge3A_54 = arith.cmpi sge, %add3A_30, %ge3A : i32
        %convert_element_type3A_55 = arith.extui %ge3A_54 : i1 to i32
        %cond3A_56 = arith.constant 0 : i32
        %cond3A_57 = arith.cmpi ne, %convert_element_type3A_55, %cond3A_56 : i32
        scf.if %cond3A_57 {
          %dma_wait3A_71 = arith.constant 0 : i32
          %dma_wait3A_72 = tpu.memref_slice %arg4[%dma_wait3A_71] : memref<6400000xf32, #tpu.memory_space<hbm>> -> memref<5120xf32, #tpu.memory_space<hbm>>
          %dma_wait3A_73 = arith.constant 0 : i32
          %dma_wait3A_74 = tpu.memref_slice %arg4[%dma_wait3A_73] : memref<6400000xf32, #tpu.memory_space<hbm>> -> memref<5120xf32, #tpu.memory_space<hbm>>
          tpu.wait_dma2 semaphore(%arg12 : memref<!tpu.dma_semaphore, #tpu.memory_space<semaphore_mem>>) src(%arg8 : memref<5120xf32, #tpu.memory_space<vmem>>) dst(%dma_wait3A_74 : memref<5120xf32, #tpu.memory_space<hbm>>)
        } else {
        }
        %parallel_loop3A = arith.constant 0 : i32
        %parallel_loop3A_58 = arith.constant 5120 : i32
        %parallel_loop3A_59 = arith.constant 16 : i32
        scf.for %parallel_loop3A_71 = %parallel_loop3A to %parallel_loop3A_58 step %parallel_loop3A_59  : i32 {
          %parallel_loop3A_72 = arith.constant 0 : i32
          %parallel_loop3A_73 = arith.index_cast %parallel_loop3A_72 : i32 to index
          %parallel_loop3A_74 = arith.index_cast %parallel_loop3A_71 : i32 to index
          %parallel_loop3A_75 = tpu.vector_load %arg6[%parallel_loop3A_73, %parallel_loop3A_74] {strides = array<i32>} : memref<2x5120xi32, #tpu.memory_space<vmem>>, vector<16xi32>,
          %parallel_loop3A_76 = tpu.vector_load_idx %arg5[%parallel_loop3A_75] : memref<100096xf32, #tpu.memory_space<vmem>>[vector<16xi32>], vector<16xf32>,
          %parallel_loop3A_77 = arith.index_cast %parallel_loop3A_71 : i32 to index
          %parallel_loop3A_78 = tpu.vector_load %arg8[%parallel_loop3A_77] {strides = array<i32>} : memref<5120xf32, #tpu.memory_space<vmem>>, vector<16xf32>,
          tpu.vector_store %arg8[%parallel_loop3A_77], %parallel_loop3A_76 {strides = array<i32>} : memref<5120xf32, #tpu.memory_space<vmem>>, vector<16xf32>,
        } {sc.loop_unroll_factor = 16 : i64, sc.parallel_access}
        %mul3A_60 = arith.constant 5120 : i32
        %mul3A_61 = arith.muli %add3A_33, %mul3A_60 : i32
        %dma_start3A_62 = tpu.memref_slice %arg4[%mul3A_61] : memref<6400000xf32, #tpu.memory_space<hbm>> -> memref<5120xf32, #tpu.memory_space<hbm>>
        %dma_start3A_63 = tpu.memref_slice %arg4[%mul3A_61] : memref<6400000xf32, #tpu.memory_space<hbm>> -> memref<5120xf32, #tpu.memory_space<hbm>>
        tpu.enqueue_dma source(%arg8 : memref<5120xf32, #tpu.memory_space<vmem>>) target(%dma_start3A_63 : memref<5120xf32, #tpu.memory_space<hbm>>) target_semaphore(%arg12 : memref<!tpu.dma_semaphore, #tpu.memory_space<semaphore_mem>>)
        %add3A_64 = arith.constant 64 : i32
        %add3A_65 = arith.addi %add3A_33, %add3A_64 : i32
        %lt3A_66 = arith.constant 1250 : i32
        %lt3A_67 = arith.cmpi slt, %add3A_65, %lt3A_66 : i32
        %convert_element_type3A_68 = arith.extui %lt3A_67 : i1 to i32
        %cond3A_69 = arith.constant 0 : i32
        %cond3A_70 = arith.cmpi ne, %convert_element_type3A_68, %cond3A_69 : i32
        scf.if %cond3A_70 {
          %add3A_71 = arith.constant 64 : i32
          %add3A_72 = arith.addi %add3A_33, %add3A_71 : i32
          %mul3A_73 = arith.constant 5120 : i32
          %mul3A_74 = arith.muli %add3A_72, %mul3A_73 : i32
          %dma_start3A_75 = arith.constant 0 : i32
          %dma_start3A_76 = tpu.memref_slice %arg3[%dma_start3A_75, %mul3A_74] : memref<2x6400000xi32, #tpu.memory_space<hbm>> -> memref<2x5120xi32, #tpu.memory_space<hbm>>
          %dma_start3A_77 = arith.constant 0 : i32
          %dma_start3A_78 = tpu.memref_slice %arg3[%dma_start3A_77, %mul3A_74] : memref<2x6400000xi32, #tpu.memory_space<hbm>> -> memref<2x5120xi32, #tpu.memory_space<hbm>>
          tpu.enqueue_dma source(%dma_start3A_78 : memref<2x5120xi32, #tpu.memory_space<hbm>>) target(%arg6 : memref<2x5120xi32, #tpu.memory_space<vmem>>) target_semaphore(%arg10 : memref<!tpu.dma_semaphore, #tpu.memory_space<semaphore_mem>>)
        } else {
        }
      } else {
      }
      %mul3A_36 = arith.constant 2 : i32
      %mul3A_37 = arith.muli %scan3A_26, %mul3A_36 : i32
      %add3A_38 = arith.constant 1 : i32
      %add3A_39 = arith.addi %mul3A_37, %add3A_38 : i32
      %mul3A_40 = arith.constant 32 : i32
      %mul3A_41 = arith.muli %add3A_39, %mul3A_40 : i32
      %add3A_42 = arith.addi %add3A, %mul3A_41 : i32
      %lt3A_43 = arith.constant 1250 : i32
      %lt3A_44 = arith.cmpi slt, %add3A_42, %lt3A_43 : i32
      %convert_element_type3A_45 = arith.extui %lt3A_44 : i1 to i32
      %cond3A_46 = arith.constant 0 : i32
      %cond3A_47 = arith.cmpi ne, %convert_element_type3A_45, %cond3A_46 : i32
      scf.if %cond3A_47 {
        %dma_wait3A_48 = arith.constant 0 : i32
        %dma_wait3A_49 = arith.constant 0 : i32
        %dma_wait3A_50 = tpu.memref_slice %arg3[%dma_wait3A_48, %dma_wait3A_49] : memref<2x6400000xi32, #tpu.memory_space<hbm>> -> memref<2x5120xi32, #tpu.memory_space<hbm>>
        %dma_wait3A_51 = arith.constant 0 : i32
        %dma_wait3A_52 = arith.constant 0 : i32
        %dma_wait3A_53 = tpu.memref_slice %arg3[%dma_wait3A_51, %dma_wait3A_52] : memref<2x6400000xi32, #tpu.memory_space<hbm>> -> memref<2x5120xi32, #tpu.memory_space<hbm>>
        tpu.wait_dma2 semaphore(%arg11 : memref<!tpu.dma_semaphore, #tpu.memory_space<semaphore_mem>>) src(%dma_wait3A_53 : memref<2x5120xi32, #tpu.memory_space<hbm>>) dst(%arg7 : memref<2x5120xi32, #tpu.memory_space<vmem>>)
        %ge3A = arith.constant 2 : i32
        %ge3A_54 = arith.cmpi sge, %add3A_39, %ge3A : i32
        %convert_element_type3A_55 = arith.extui %ge3A_54 : i1 to i32
        %cond3A_56 = arith.constant 0 : i32
        %cond3A_57 = arith.cmpi ne, %convert_element_type3A_55, %cond3A_56 : i32
        scf.if %cond3A_57 {
          %dma_wait3A_71 = arith.constant 0 : i32
          %dma_wait3A_72 = tpu.memref_slice %arg4[%dma_wait3A_71] : memref<6400000xf32, #tpu.memory_space<hbm>> -> memref<5120xf32, #tpu.memory_space<hbm>>
          %dma_wait3A_73 = arith.constant 0 : i32
          %dma_wait3A_74 = tpu.memref_slice %arg4[%dma_wait3A_73] : memref<6400000xf32, #tpu.memory_space<hbm>> -> memref<5120xf32, #tpu.memory_space<hbm>>
          tpu.wait_dma2 semaphore(%arg13 : memref<!tpu.dma_semaphore, #tpu.memory_space<semaphore_mem>>) src(%arg9 : memref<5120xf32, #tpu.memory_space<vmem>>) dst(%dma_wait3A_74 : memref<5120xf32, #tpu.memory_space<hbm>>)
        } else {
        }
        %parallel_loop3A = arith.constant 0 : i32
        %parallel_loop3A_58 = arith.constant 5120 : i32
        %parallel_loop3A_59 = arith.constant 16 : i32
        scf.for %parallel_loop3A_71 = %parallel_loop3A to %parallel_loop3A_58 step %parallel_loop3A_59  : i32 {
          %parallel_loop3A_72 = arith.constant 0 : i32
          %parallel_loop3A_73 = arith.index_cast %parallel_loop3A_72 : i32 to index
          %parallel_loop3A_74 = arith.index_cast %parallel_loop3A_71 : i32 to index
          %parallel_loop3A_75 = tpu.vector_load %arg7[%parallel_loop3A_73, %parallel_loop3A_74] {strides = array<i32>} : memref<2x5120xi32, #tpu.memory_space<vmem>>, vector<16xi32>,
          %parallel_loop3A_76 = tpu.vector_load_idx %arg5[%parallel_loop3A_75] : memref<100096xf32, #tpu.memory_space<vmem>>[vector<16xi32>], vector<16xf32>,
          %parallel_loop3A_77 = arith.index_cast %parallel_loop3A_71 : i32 to index
          %parallel_loop3A_78 = tpu.vector_load %arg9[%parallel_loop3A_77] {strides = array<i32>} : memref<5120xf32, #tpu.memory_space<vmem>>, vector<16xf32>,
          tpu.vector_store %arg9[%parallel_loop3A_77], %parallel_loop3A_76 {strides = array<i32>} : memref<5120xf32, #tpu.memory_space<vmem>>, vector<16xf32>,
        } {sc.loop_unroll_factor = 16 : i64, sc.parallel_access}
        %mul3A_60 = arith.constant 5120 : i32
        %mul3A_61 = arith.muli %add3A_42, %mul3A_60 : i32
        %dma_start3A_62 = tpu.memref_slice %arg4[%mul3A_61] : memref<6400000xf32, #tpu.memory_space<hbm>> -> memref<5120xf32, #tpu.memory_space<hbm>>
        %dma_start3A_63 = tpu.memref_slice %arg4[%mul3A_61] : memref<6400000xf32, #tpu.memory_space<hbm>> -> memref<5120xf32, #tpu.memory_space<hbm>>
        tpu.enqueue_dma source(%arg9 : memref<5120xf32, #tpu.memory_space<vmem>>) target(%dma_start3A_63 : memref<5120xf32, #tpu.memory_space<hbm>>) target_semaphore(%arg13 : memref<!tpu.dma_semaphore, #tpu.memory_space<semaphore_mem>>)
        %add3A_64 = arith.constant 64 : i32
        %add3A_65 = arith.addi %add3A_42, %add3A_64 : i32
        %lt3A_66 = arith.constant 1250 : i32
        %lt3A_67 = arith.cmpi slt, %add3A_65, %lt3A_66 : i32
        %convert_element_type3A_68 = arith.extui %lt3A_67 : i1 to i32
        %cond3A_69 = arith.constant 0 : i32
        %cond3A_70 = arith.cmpi ne, %convert_element_type3A_68, %cond3A_69 : i32
        scf.if %cond3A_70 {
          %add3A_71 = arith.constant 64 : i32
          %add3A_72 = arith.addi %add3A_42, %add3A_71 : i32
          %mul3A_73 = arith.constant 5120 : i32
          %mul3A_74 = arith.muli %add3A_72, %mul3A_73 : i32
          %dma_start3A_75 = arith.constant 0 : i32
          %dma_start3A_76 = tpu.memref_slice %arg3[%dma_start3A_75, %mul3A_74] : memref<2x6400000xi32, #tpu.memory_space<hbm>> -> memref<2x5120xi32, #tpu.memory_space<hbm>>
          %dma_start3A_77 = arith.constant 0 : i32
          %dma_start3A_78 = tpu.memref_slice %arg3[%dma_start3A_77, %mul3A_74] : memref<2x6400000xi32, #tpu.memory_space<hbm>> -> memref<2x5120xi32, #tpu.memory_space<hbm>>
          tpu.enqueue_dma source(%dma_start3A_78 : memref<2x5120xi32, #tpu.memory_space<hbm>>) target(%arg7 : memref<2x5120xi32, #tpu.memory_space<vmem>>) target_semaphore(%arg11 : memref<!tpu.dma_semaphore, #tpu.memory_space<semaphore_mem>>)
        } else {
        }
      } else {
      }
    }
    %scan3A_18 = arith.constant 20 : i32
    %dma_wait3A = arith.constant 0 : i32
    %dma_wait3A_19 = tpu.memref_slice %arg4[%dma_wait3A] : memref<6400000xf32, #tpu.memory_space<hbm>> -> memref<5120xf32, #tpu.memory_space<hbm>>
    %dma_wait3A_20 = arith.constant 0 : i32
    %dma_wait3A_21 = tpu.memref_slice %arg4[%dma_wait3A_20] : memref<6400000xf32, #tpu.memory_space<hbm>> -> memref<5120xf32, #tpu.memory_space<hbm>>
    tpu.wait_dma2 semaphore(%arg12 : memref<!tpu.dma_semaphore, #tpu.memory_space<semaphore_mem>>) src(%arg8 : memref<5120xf32, #tpu.memory_space<vmem>>) dst(%dma_wait3A_21 : memref<5120xf32, #tpu.memory_space<hbm>>)
    %dma_wait3A_22 = arith.constant 0 : i32
    %dma_wait3A_23 = tpu.memref_slice %arg4[%dma_wait3A_22] : memref<6400000xf32, #tpu.memory_space<hbm>> -> memref<5120xf32, #tpu.memory_space<hbm>>
    %dma_wait3A_24 = arith.constant 0 : i32
    %dma_wait3A_25 = tpu.memref_slice %arg4[%dma_wait3A_24] : memref<6400000xf32, #tpu.memory_space<hbm>> -> memref<5120xf32, #tpu.memory_space<hbm>>
    tpu.wait_dma2 semaphore(%arg13 : memref<!tpu.dma_semaphore, #tpu.memory_space<semaphore_mem>>) src(%arg9 : memref<5120xf32, #tpu.memory_space<vmem>>) dst(%dma_wait3A_25 : memref<5120xf32, #tpu.memory_space<hbm>>)
    return
  }
}

module attributes {stable_mosaic.version = 14 : i64} {
  func.func @body(%arg0: memref<800x128xf32, #tpu.memory_space<vmem>>, %arg1: memref<800x128xf32, #tpu.memory_space<vmem>>) attributes {dimension_semantics = [], scalar_prefetch = 0 : i64, scratch_operands = 0 : i64, tpu.core_type = #tpu.core_type<tc>} {
    %get3A = arith.constant 0 : index
    %get3A_0 = arith.constant 0 : index
    %get3A_1 = vector.load %arg0[%get3A, %get3A_0] : memref<800x128xf32, #tpu.memory_space<vmem>>, vector<800x128xf32>
    %logistic3A = arith.negf %get3A_1 : vector<800x128xf32>
    %logistic3A_2 = math.exp %logistic3A : vector<800x128xf32>
    %logistic3A_3 = arith.constant 1.000000e+00 : f32
    %logistic3A_4 = vector.broadcast %logistic3A_3 : f32 to vector<800x128xf32>
    %logistic3A_5 = arith.addf %logistic3A_4, %logistic3A_2 : vector<800x128xf32>
    %logistic3A_6 = arith.divf %logistic3A_4, %logistic3A_5 : vector<800x128xf32>
    %swap3A = arith.constant 0 : index
    %swap3A_7 = arith.constant 0 : index
    %swap3A_8 = vector.load %arg1[%swap3A, %swap3A_7] : memref<800x128xf32, #tpu.memory_space<vmem>>, vector<800x128xf32>
    tpu.vector_store %arg1[%swap3A, %swap3A_7], %logistic3A_6 {strides = array<i32>} : memref<800x128xf32, #tpu.memory_space<vmem>>, vector<800x128xf32>,
    return
  }
}

</mosaic_0001>

<sc_bundles>
// kernel: kernel.4.cloned.1.call-start
scs
__scs_entry_jumppad:
0x0: {  	(pc) =	sbr.rel $0x88, $3  }
0x1: {  	(tag) =	ssettag $0x0;
	lr =	simm.s32 $0x1  }
0x2: {  	[smem:$0x3F9F] =	sst lr;
	_ =	strace $0xD0000000  }
0x3: {  	_ = 	snop  }
0x4: {  	_ = 	snop  }
0x5: {  	_ = 	snop  }
0x6: {  	_ = 	snop  }
0x7: {  	_ = 	snop  }
__scs_overlays_trampoline_lowered:
0x8: {  	[smem:$0x3FAE] =	sst s0  }
0x9: {  	[smem:$0x3FAF] =	sst s1  }
0xa: {  	[smem:$0x3FB0] =	sst s2  }
0xb: {  	[smem:$0x3FB1] =	sst s3  }
0xc: {  	[smem:$0x3FB2] =	sst s4  }
0xd: {  	[smem:$0x3FB3] =	sst s5  }
0xe: {  	[smem:$0x3FB4] =	sst s6  }
0xf: {  	[smem:$0x3FB5] =	sst s7  }
0x10: {  	[smem:$0x3FB6] =	sst s8  }
0x11: {  	[smem:$0x3FB7] =	sst s9;
	s0 =	simm.s32 @!p0 $0x0  }
0x12: {  	s1 =	sld [smem:$0x3F9D];
	s0 =	simm.s32 @p0 $0x1  }
0x13: {  	[smem:$0x3FB8] =	sst s0;
	s0 =	simm.s32 @!p1 $0x0  }
0x14: {  	s2 =	sld [smem:$0x3F9C];
	s0 =	simm.s32 @p1 $0x1  }
0x15: {  	[smem:$0x3FB9] =	sst s0;
	s0 =	simm.s32 @!p2 $0x0  }
0x16: {  	s3 =	sld [smem:$0x3FDB];
	s0 =	simm.s32 @p2 $0x1  }
0x17: {  	s4 =	simm.s32 $0x1BF5;
	[smem:$0x3FBB] =	sst s0  }
0x18: {  	s0 =	sld [smem:$0x3F9E];
	_ =	swait.ge [sflag:s4], $0x0  }
0x19: {  	s7 =	sld [smem:$0x3F9F]  }
0x1a: {  	s8 =	sadd.s32 $0xFFFFE003, lr  }
0x1b: {  	s9 =	sadd.s32 $0xFFFFFEF7, lr;
	s5 =	simm.s32 $0xFFFFFFFF;
	p2 =	slt.u32 s8, $0xFFFFF086  }
0x1c: {  	p1 =	slt.u32 s9, $0xF7A;
	s5 =	simm.s32 @!p2 $0x0  }
0x1d: {  	s5 =	simm.s32 @p1 $0x1;
	p0 =	seq.s32 s7, s2  }
0x1e: {  	s7 =	smul.u32 @!p0 $0xF7A, s2;
	p2 =	seq.s32 @!p0 s5, $0x0  }
0x1f: {  	s9 =	smul.u32 $0xF7A, s1;
	s8 =	simm.s32 @!p0 $0x1BF5;
	p2 =	por !p2, p0  }
0x20: {  	[sflag:s8] =	ssyncset.s32 @!p0 $0xFFFFF086;
	s6 =	sadd.s32 @!p0 s3, s7;
	s7 =	simm.s32 @!p0 $0x108  }
0x21: {  	s3 =	sadd.s32 s3, s9;
	s6 =	sadd.s32 @!p0 $0x88, s6;
	s7 =	simm.s32 @p2 $0x1082  }
0x22: {  	[simem:s7], [sflag:s8] =	dma.local @!p0 [hbm:s6], $0xF7A  }
0x23: {  	s9 =	sor.u32 $0xD0000000, s2;
	s6 =	simm.s32 $0x108;
	_ =	swait.ge @!p0 [sflag:s8], $0x0  }
0x24: {  	s3 =	sadd.s32 $0x88, s3;
	s6 =	simm.s32 @!p1 $0x1082;
	[sflag:s4] =	ssyncset.s32 $0xFFFFF086  }
0x25: {  	[simem:s6], [sflag:s4] =	dma.local [hbm:s3], $0xF7A  }
0x26: {  	[smem:$0x3F9F] =	sst s1;
	(tag) =	ssettag s2;
	_ =	strace s9  }
0x27: {  	s1 =	sld [smem:$0x3FAF]  }
0x28: {  	s2 =	sld [smem:$0x3FB0]  }
0x29: {  	s4 =	sld [smem:$0x3FB2]  }
0x2a: {  	p0 =	seq.s32 s5, $0x0;
	s5 =	sld [smem:$0x3FB3]  }
0x2b: {  	s6 =	sld [smem:$0x3FB4]  }
0x2c: {  	s7 =	sld [smem:$0x3FB5]  }
0x2d: {  	s3 =	simm.s32 $0x108;
	s8 =	sld [smem:$0x3FB6]  }
0x2e: {  	s3 =	simm.s32 @!p0 $0x1082;
	s9 =	sld [smem:$0x3FB7]  }
0x2f: {  	lr =	sadd.s32 s0, s3;
	s0 =	sld [smem:$0x3FAE]  }
0x30: {  	s3 =	sld [smem:$0x3FB1]  }
0x31: {  	[smem:$0x3FBA] =	sst s10  }
0x32: {  	s10 =	sld [smem:$0x3FB8];
	_ =	sdelay $0x3  }
0x33: {  	p0 =	seq.s32 s10, $0x1;
	s10 =	sld [smem:$0x3FBA];
	_ =	sdelay $0x3  }
0x34: {  	[smem:$0x3FBA] =	sst s10  }
0x35: {  	s10 =	sld [smem:$0x3FB9];
	_ =	sdelay $0x3  }
0x36: {  	p1 =	seq.s32 s10, $0x1;
	s10 =	sld [smem:$0x3FBA];
	_ =	sdelay $0x3  }
0x37: {  	[smem:$0x3FBA] =	sst s10  }
0x38: {  	s10 =	sld [smem:$0x3FBB]  }
0x39: {  	_ = 	snop;
	(pc) =	sbr.ind lr, $3  }
0x3a: {  	_ = 	snop  }
0x3b: {  	_ = 	snop  }
0x3c: {  	p2 =	seq.s32 s10, $0x1;
	s10 =	sld [smem:$0x3FBA]  }
0x3d: {  	_ =	shalt  }
0x3e: {  	_ =	shalt  }
0x3f: {  	_ =	shalt  }
0x40: {  	_ =	shalt  }
0x41: {  	_ =	shalt  }
0x42: {  	_ =	shalt  }
0x43: {  	_ =	shalt  }
0x44: {  	_ =	shalt  }
0x45: {  	_ =	shalt  }
0x46: {  	_ =	shalt  }
0x47: {  	_ =	shalt  }
0x48: {  	_ =	shalt  }
0x49: {  	_ =	shalt  }
0x4a: {  	_ =	shalt  }
0x4b: {  	_ =	shalt  }
0x4c: {  	_ =	shalt  }
0x4d: {  	_ =	shalt  }
0x4e: {  	_ =	shalt  }
0x4f: {  	_ =	shalt  }
0x50: {  	_ =	shalt  }
0x51: {  	_ =	shalt  }
0x52: {  	_ =	shalt  }
0x53: {  	_ =	shalt  }
0x54: {  	_ =	shalt  }
0x55: {  	_ =	shalt  }
0x56: {  	_ =	shalt  }
0x57: {  	_ =	shalt  }
0x58: {  	_ =	shalt  }
0x59: {  	_ =	shalt  }
0x5a: {  	_ =	shalt  }
0x5b: {  	_ =	shalt  }
0x5c: {  	_ =	shalt  }
0x5d: {  	_ =	shalt  }
0x5e: {  	_ =	shalt  }
0x5f: {  	_ =	shalt  }
0x60: {  	_ =	shalt  }
0x61: {  	_ =	shalt  }
0x62: {  	_ =	shalt  }
0x63: {  	_ =	shalt  }
0x64: {  	_ =	shalt  }
0x65: {  	_ =	shalt  }
0x66: {  	_ =	shalt  }
0x67: {  	_ =	shalt  }
0x68: {  	_ =	shalt  }
0x69: {  	_ =	shalt  }
0x6a: {  	_ =	shalt  }
0x6b: {  	_ =	shalt  }
0x6c: {  	_ =	shalt  }
0x6d: {  	_ =	shalt  }
0x6e: {  	_ =	shalt  }
0x6f: {  	_ =	shalt  }
0x70: {  	_ =	shalt  }
0x71: {  	_ =	shalt  }
0x72: {  	_ =	shalt  }
0x73: {  	_ =	shalt  }
0x74: {  	_ =	shalt  }
0x75: {  	_ =	shalt  }
0x76: {  	_ =	shalt  }
0x77: {  	_ =	shalt  }
0x78: {  	_ =	shalt  }
0x79: {  	_ =	shalt  }
0x7a: {  	_ =	shalt  }
0x7b: {  	_ =	shalt  }
0x7c: {  	_ =	shalt  }
0x7d: {  	_ =	shalt  }
0x7e: {  	_ =	shalt  }
0x7f: {  	_ =	shalt  }
0x80: {  	_ =	shalt  }
0x81: {  	_ =	shalt  }
0x82: {  	_ =	shalt  }
0x83: {  	_ =	shalt  }
0x84: {  	_ =	shalt  }
0x85: {  	_ =	shalt  }
0x86: {  	_ =	shalt  }
0x87: {  	_ =	shalt  }
.Lfunc_end0:
.L_simem_size_0:
called_computation_lowered:
.L_overlay_start_0:
0x88: {  	s2 =	sld [smem:$0x3FD9]  }
0x89: {  	s3 =	sld [smem:$0x3FFE];
	_ =	sdelay $0x1  }
0x8a: {  	s1 =	srdreg.scid  }
0x8b: {  	s0 =	sand.u32 $0x1, s1  }
0x8c: {  	s17 =	sshll.u32 s0, $0xA;
	s2 =	sadd.s32 s3, s2  }
0x8d: {  	s2 =	sadd.s32 s2, s17  }
0x8e: {  	[smem:$0x3FC6] =	sst s2  }
0x8f: {  	_ = 	snop  }
0x90: {  	s2 =	sld [smem:$0x3FC8]  }
0x91: {  	s18 =	sld [smem:$0x3FD0];
	(tm) =	ssettm $0x1  }
0x92: {  	s4 =	sld [smem:$0x3FFB];
	_ =	sdelay $0x3  }
0x93: {  	_ =	strace s4  }
0x94: {  	s4 =	sld [smem:$0x3FFC];
	_ =	sdelay $0x3  }
0x95: {  	_ =	strace s4  }
0x96: {  	s4 =	sld [smem:$0x3FFD];
	_ =	sdelay $0x3  }
0x97: {  	_ =	strace s4  }
0x98: {  	_ =	strace $0x8FFFFFFF  }
0x99: {  	s19 =	sld [smem:$0x3FDB];
	_ =	sdelay $0x1  }
0x9a: {  	s5 =	simm.s32 $_scs_section_size  }
0x9b: {  	s6 =	simm.s32 $_size__tile_overlayer_lowered;
	s7 =	simm.s32 $_tile_overlayer_lowered  }
0x9c: {  	s22 =	simm.s32 $0x1BFF;
	s21 =	sshll.u32 s7, $0x1;
	s4 =	sadd.s32 s5, s19  }
0x9d: {  	s8 =	simm.s32 $0x0;
	s20 =	sshll.u32 s6, $0x1;
	s6 =	sadd.s32 s21, s4  }
0x9e: {  	[timem:s8], [sflag:s22] =	dma.local [hbm:s6], s20  }
0x9f: {  	_ =	swait.ge [sflag:s22], s20  }
0xa0: {  	s5 =	ssub.s32 $0x0, s20;
	[sflag:s22] =	ssyncset.done $0x0  }
0xa1: {  	[sflag:s22] =	ssyncadd.s32 s5;
	_ =	sdelay $0x1  }
0xa2: {  	s23 =	simm.s32 $0x1B8B  }
0xa3: {  	_ =	swait.ge [sflag:s23], $0x1  }
0xa4: {  	[sflag:s23] =	ssyncset.done $0x0  }
0xa5: {  	s25 =	simm.s32 $0x1B8E;
	s24 =	sld [smem:$0x3FFE];
	[sflag:s23] =	ssyncadd.s32 $0xFFFFFFFF  }
0xa6: {  	s26 =	simm.s32 $execute0_lowered;
	[smem:$0x3FD2] =	sst s25  }
0xa7: {  	s6 =	sshll.u32 s26, $0x1;
	_ =	strace $0x80000046;
	[dreg:$0x1] =	wrdreg $0xFFFFFFFF  }
0xa8: {  	s28 =	simm.s32 $_size_execute0_lowered;
	s4 =	sadd.s32 s4, s6;
	[dreg:$0x0] =	wrdreg $0x0  }
0xa9: {  	s6 =	sshll.u32 s28, $0x1;
	[dreg:$0x2] =	wrdreg s4  }
0xaa: {  	[dreg:$0x3] =	wrdreg s6  }
0xab: {  	[dreg:$0x4] =	wrdreg $0xC0  }
0xac: {  	_ =	task [dreg:s8], $0x5FFFF  }
0xad: {  	[dreg:$0x1] =	wrdreg $0xFFFFFFFF  }
0xae: {  	[dreg:$0x0] =	wrdreg $0x60  }
0xaf: {  	[dreg:$0x2] =	wrdreg s24  }
0xb0: {  	[dreg:$0x3] =	wrdreg s2  }
0xb1: {  	[dreg:$0x4] =	wrdreg s18  }
0xb2: {  	[dreg:$0x5] =	wrdreg $0x9  }
0xb3: {  	_ =	task.clear_ibuf [dreg:s8], $0x6FFFF;
	_ =	strace $0x90000046  }
0xb4: {  	s29 =	simm.s32 $0x9;
	_ =	strace $0x80000048  }
0xb5: {  	_ =	swait.ge [sflag:s29], $0x1  }
0xb6: {  	[sflag:s29] =	ssyncadd.s32 $0xFFFFFFFF  }
0xb7: {  	_ =	strace $0x90000048  }
0xb8: {  	_ =	sfence  }
0xb9: {  	s30 =	sld [smem:$0x0];
	_ =	sdelay $0x2  }
0xba: {  	s31 =	sshll.u32 s1, $0xD;
	s1 =	sshrl.u32 s1, $0x2  }
0xbb: {  	s3 =	sand.u32 $0x4000, s31;
	s1 =	sadd.s32 s1, s30  }
0xbc: {  	s0 =	sor.u32 s3, s0;
	s1 =	sshll.u32 s1, $0x11  }
0xbd: {  	s0 =	sor.u32 s1, s0  }
0xbe: {  	s0 =	sadd.s32 $0x8F2B, s0  }
0xbf: {  	[sflag:s0] =	ssyncadd.remote.s32 $0x1  }
0xc0: {  	_ =	sfence.sel $0xFFFF  }
0xc1: {  	[dreg:$0x0] =	wrdreg $0xFFFFFFFF;
	(pc) =	sbr.abs _section_cstart, $3  }
0xc2: {  	[dreg:$0x1] =	wrdreg $0xFFFFFFFF  }
0xc3: {  	_ =	task.clear_ibuf [dreg:s8], $0x2FFFF;
	_ =	strace $0x9FFFFFFF  }
0xc4: {  	(tm) =	ssettm $0x7FFFFFFF  }
0xc5: {  	_ =	shalt  }
tec
execute0_lowered:
.L_overlay_start_1:
0x0: {  	(tag) =	ssettag $0x1  }
0x1: {  	s6 =	rddreg [dreg:$0x0]  }
0x2: {  	s2 =	rddreg [dreg:$0x1]  }
0x3: {  	s1 =	srdreg.scid;
	s0 =	stileid.u32  }
0x4: {  	s3 =	rddreg [dreg:$0x2];
	s4 =	simm.s32 $0x0;
	s11 =	simm.s32 $0x1AF00  }
0x5: {  	s12 =	simm.s32 $0x5;
	s13 =	simm.s32 $0x1;
	s14 =	simm.s32 $0x1D700  }
0x6: {  	s15 =	simm.s32 $0x2;
	s7 =	sand.u32 $0x1, s1;
	s5 =	sshll.u32 s0, $0x1  }
0x7: {  	s16 =	simm.s32 $0x1EB00;
	s17 =	simm.s32 $0x3;
	s5 =	sor.u32 s7, s5  }
0x8: {  	s18 =	simm.s32 $0x4;
	s1 =	rddreg [dreg:$0x3];
	s8 =	smul.u32 $0x2800, s5  }
.Ltmp0:
0x9: {  	s19 =	simm.s32 $0x0;
	[smem:$0x7FF] =	sst s4;
	(pc) =	sbr.rel .LBB2_1-.Ltmp0, $4  }
0xa: {  	s6 =	sadd.s32 $0x200, s6;
	s7 =	ssub.s32 $0x2, s7;
	s9 =	smul.u32 $0x500, s5  }
0xb: {  	_ =	strace $0x80000047;
	s10 =	sshrl.u32 s7, $0x1;
	s8 =	sshrl.u32 s8, $0x3  }
0xc: {  	s10 =	ssub.s32 s7, s10;
	s7 =	sadd.s32 s2, s9;
	s8 =	sadd.s32 s2, s8  }
0xd: {  	s9 =	smax.u32 s10, $0x1;
	s10 =	simm.s32 $0x18700;
	s8 =	sadd.s32 $0xA000, s8  }
.LBB2_9:
0xe: {  	s19 =	sadd.s32 $0x1, s19  }
0xf: {  	_ =	swait.ge [sflag:s17], $0x1400;
	p0 =	sne.s32 s19, s9  }
.Ltmp1:
0x10: {  	[sflag:s17] =	ssyncset.done $0x0;
	(pc) =	sbr.rel @!p0 .LBB2_10-.Ltmp1, $4  }
0x11: {  	[sflag:s17] =	ssyncadd.s32 $0xFFFFEC00  }
0x12: {  	_ =	swait.ge [sflag:s18], $0x1400  }
0x13: {  	[sflag:s18] =	ssyncset.done $0x0  }
0x14: {  	[sflag:s18] =	ssyncadd.s32 $0xFFFFEC00  }
.LBB2_1:
0x15: {  	[tilespmem:s10], [sflag:$0x1] =	stream.linear.gather [hbm4b:s7+s4], $0x2800, $0x38;
	[tilespmem:$0x1FF00] =	vst v63  }
0x16: {  	_ = 	snop  }
0x17: {  	[tilespmem:s11], [sflag:$0x2] =	stream.linear.gather [hbm4b:s8+s4], $0x2800, $0x38;
	[tilespmem:$0x1FF00] =	vst v63  }
.Ltmp2:
0x18: {  	_ = 	snop;
	(pc) =	sbr.rel .LBB2_2-.Ltmp2, $4  }
0x19: {  	[tilespmem:s4], [sflag:$0x5] =	stream.linear.gather [hbm4b:s6+s4], $0x18700, $0x38;
	[tilespmem:$0x1FF00] =	vst v63  }
0x1a: {  	_ =	swait.ge [sflag:s12], $0x18700  }
0x1b: {  	[sflag:s12] =	ssyncset.done $0x0  }
0x1c: {  	s20 =	simm.s32 $0x0;
	[sflag:s12] =	ssyncadd.s32 $0xFFFE7900  }
.LBB2_8:
0x1d: {  	s20 =	sadd.s32 $0x1, s20  }
0x1e: {  	p0 =	sne.s32 s20, $0x14  }
.Ltmp3:
0x1f: {  	_ = 	snop;
	(pc) =	sbr.rel @!p0 .LBB2_9-.Ltmp3, $1  }
0x20: {  	_ =	sdelay $0x3  }
.LBB2_2:
0x21: {  	_ =	swait.ge [sflag:s13], $0x2800  }
0x22: {  	p0 =	seq.s32 s20, $0x0;
	[sflag:s13] =	ssyncset.done $0x0  }
0x23: {  	s21 =	simm.s32 @!p0 $0x3;
	[sflag:s13] =	ssyncadd.s32 $0xFFFFD800  }
0x24: {  	_ =	swait.ge @!p0 [sflag:s21], $0x1400  }
0x25: {  	[sflag:s21] =	ssyncset.done @!p0 $0x0  }
0x26: {  	s31 =	simm.s32 $0x18800;
	[sflag:s21] =	ssyncadd.s32 @!p0 $0xFFFFEC00  }
0x27: {  	v0 =	vld [tilespmem:s31+$0x70]  }
0x28: {  	v1 =	vld [tilespmem:s31+$0xFFFFFF10]  }
0x29: {  	v2 =	vld [tilespmem:s31+$0xFFFFFF20]  }
0x2a: {  	v3 =	vld [tilespmem:s31+$0xFFFFFF30]  }
0x2b: {  	v4 =	vld [tilespmem:s31+$0xFFFFFF40]  }
0x2c: {  	v5 =	vld [tilespmem:s31+$0xFFFFFF50]  }
0x2d: {  	v6 =	vld [tilespmem:s31+$0xFFFFFF60]  }
0x2e: {  	v7 =	vld [tilespmem:s31+$0xFFFFFF70]  }
0x2f: {  	v8 =	vld [tilespmem:s31+$0x0]  }
0x30: {  	v9 =	vld [tilespmem:s31+$0x10]  }
0x31: {  	v10 =	vld [tilespmem:s31+$0x20]  }
0x32: {  	v11 =	vld [tilespmem:s31+$0x30]  }
0x33: {  	v12 =	vld [tilespmem:s31+$0x40]  }
0x34: {  	v13 =	vld [tilespmem:s31+$0x50]  }
0x35: {  	v14 =	vld [tilespmem:s31+$0x60]  }
0x36: {  	v15 =	vld [tilespmem:s31+$0xFFFFFF00]  }
0x37: {  	v0 =	vld.idx.msk [tilespmem:v0+s4+$0x0], $0xffff  }
0x38: {  	v1 =	vld.idx.msk [tilespmem:v1+s4+$0x0], $0xffff  }
0x39: {  	v2 =	vld.idx.msk [tilespmem:v2+s4+$0x0], $0xffff  }
0x3a: {  	v3 =	vld.idx.msk [tilespmem:v3+s4+$0x0], $0xffff  }
0x3b: {  	v4 =	vld.idx.msk [tilespmem:v4+s4+$0x0], $0xffff  }
0x3c: {  	s21 =	simm.s32 $0x1D780;
	v5 =	vld.idx.msk [tilespmem:v5+s4+$0x0], $0xffff  }
0x3d: {  	v6 =	vld.idx.msk [tilespmem:v6+s4+$0x0], $0xffff;
	[tilespmem:s21+$0x70] =	vst v0  }
0x3e: {  	v7 =	vld.idx.msk [tilespmem:v7+s4+$0x0], $0xffff;
	[tilespmem:s21+$0xFFFFFF90] =	vst v1  }
0x3f: {  	v15 =	vld.idx.msk [tilespmem:v15+s4+$0x0], $0xffff;
	[tilespmem:s21+$0xFFFFFFA0] =	vst v2  }
0x40: {  	v8 =	vld.idx.msk [tilespmem:v8+s4+$0x0], $0xffff;
	[tilespmem:s21+$0xFFFFFFB0] =	vst v3  }
0x41: {  	[tilespmem:s21+$0xFFFFFFC0] =	vst v4;
	v0 =	vld.idx.msk [tilespmem:v9+s4+$0x0], $0xffff  }
0x42: {  	[tilespmem:s21+$0xFFFFFFD0] =	vst v5;
	v1 =	vld.idx.msk [tilespmem:v10+s4+$0x0], $0xffff  }
0x43: {  	[tilespmem:s21+$0xFFFFFFE0] =	vst v6;
	v2 =	vld.idx.msk [tilespmem:v11+s4+$0x0], $0xffff  }
0x44: {  	[tilespmem:s21+$0xFFFFFFF0] =	vst v7;
	v3 =	vld.idx.msk [tilespmem:v12+s4+$0x0], $0xffff  }
0x45: {  	s22 =	sshll.u32 s20, $0x6;
	[tilespmem:s21+$0xFFFFFF80] =	vst v15;
	v4 =	vld.idx.msk [tilespmem:v13+s4+$0x0], $0xffff  }
0x46: {  	s23 =	simm.s32 $0x0;
	s24 =	simm.s32 $0x18A00;
	s22 =	sor.u32 s5, s22;
	[tilespmem:s21+$0x0] =	vst v8;
	v5 =	vld.idx.msk [tilespmem:v14+s4+$0x0], $0xffff  }
.LBB2_3:
0x47: {  	v6 =	vld [tilespmem:s24+$0x70];
	s23 =	sadd.s32 $0x100, s23;
	[tilespmem:s21+$0x10] =	vst v0  }
0x48: {  	v0 =	vld [tilespmem:s24+$0xFFFFFF10];
	p1 =	slt.u32 s23, $0x1300;
	[tilespmem:s21+$0x20] =	vst v1  }
0x49: {  	v1 =	vld [tilespmem:s24+$0xFFFFFF20];
	[tilespmem:s21+$0x30] =	vst v2  }
0x4a: {  	v2 =	vld [tilespmem:s24+$0xFFFFFF30];
	[tilespmem:s21+$0x40] =	vst v3  }
0x4b: {  	v3 =	vld [tilespmem:s24+$0xFFFFFF40];
	[tilespmem:s21+$0x50] =	vst v4  }
0x4c: {  	v4 =	vld [tilespmem:s24+$0xFFFFFF50];
	[tilespmem:s21+$0x60] =	vst v5  }
0x4d: {  	v5 =	vld [tilespmem:s24+$0xFFFFFF60]  }
0x4e: {  	v7 =	vld [tilespmem:s24+$0xFFFFFF70]  }
0x4f: {  	v6 =	vld.idx.msk [tilespmem:v6+s4+$0x0], $0xffff  }
0x50: {  	v8 =	vld [tilespmem:s24+$0x0]  }
0x51: {  	v9 =	vld [tilespmem:s24+$0x10]  }
0x52: {  	v10 =	vld [tilespmem:s24+$0x20]  }
0x53: {  	v11 =	vld [tilespmem:s24+$0x30]  }
0x54: {  	s21 =	sadd.s32 $0x100, s21;
	v12 =	vld [tilespmem:s24+$0x40]  }
0x55: {  	v13 =	vld [tilespmem:s24+$0x50];
	[tilespmem:s21+$0x70] =	vst v6  }
0x56: {  	v6 =	vld [tilespmem:s24+$0x60]  }
0x57: {  	v14 =	vld [tilespmem:s24+$0xFFFFFF00]  }
0x58: {  	v0 =	vld.idx.msk [tilespmem:v0+s4+$0x0], $0xffff  }
0x59: {  	v1 =	vld.idx.msk [tilespmem:v1+s4+$0x0], $0xffff  }
0x5a: {  	v2 =	vld.idx.msk [tilespmem:v2+s4+$0x0], $0xffff  }
0x5b: {  	v3 =	vld.idx.msk [tilespmem:v3+s4+$0x0], $0xffff  }
0x5c: {  	v4 =	vld.idx.msk [tilespmem:v4+s4+$0x0], $0xffff  }
0x5d: {  	v5 =	vld.idx.msk [tilespmem:v5+s4+$0x0], $0xffff  }
0x5e: {  	[tilespmem:s21+$0xFFFFFF90] =	vst v0;
	v7 =	vld.idx.msk [tilespmem:v7+s4+$0x0], $0xffff  }
0x5f: {  	v14 =	vld.idx.msk [tilespmem:v14+s4+$0x0], $0xffff;
	[tilespmem:s21+$0xFFFFFFA0] =	vst v1  }
0x60: {  	[tilespmem:s21+$0xFFFFFFB0] =	vst v2;
	v8 =	vld.idx.msk [tilespmem:v8+s4+$0x0], $0xffff  }
0x61: {  	[tilespmem:s21+$0xFFFFFFC0] =	vst v3;
	v0 =	vld.idx.msk [tilespmem:v9+s4+$0x0], $0xffff  }
.Ltmp4:
0x62: {  	[tilespmem:s21+$0xFFFFFFD0] =	vst v4;
	v1 =	vld.idx.msk [tilespmem:v10+s4+$0x0], $0xffff;
	(pc) =	sbr.rel @p1 .LBB2_3-.Ltmp4, $4  }
0x63: {  	[tilespmem:s21+$0xFFFFFFE0] =	vst v5;
	v2 =	vld.idx.msk [tilespmem:v11+s4+$0x0], $0xffff  }
0x64: {  	[tilespmem:s21+$0xFFFFFFF0] =	vst v7;
	v3 =	vld.idx.msk [tilespmem:v12+s4+$0x0], $0xffff  }
0x65: {  	[tilespmem:s21+$0xFFFFFF80] =	vst v14;
	v4 =	vld.idx.msk [tilespmem:v13+s4+$0x0], $0xffff  }
0x66: {  	s24 =	sadd.s32 $0x200, s24;
	[tilespmem:s21+$0x0] =	vst v8;
	v5 =	vld.idx.msk [tilespmem:v6+s4+$0x0], $0xffff  }
0x67: {  	[tilespmem:s21+$0x10] =	vst v0  }
0x68: {  	[tilespmem:s21+$0x20] =	vst v1;
	s23 =	smul.u32 $0x280, s22  }
0x69: {  	p1 =	sgt.u32 s22, $0x4A1;
	[tilespmem:s21+$0x30] =	vst v2  }
0x6a: {  	[tilespmem:s21+$0x40] =	vst v3;
	s31 =	sadd.s32 s3, s23;
	s23 =	smul.u32 @!p1 $0x2800, s22  }
0x6b: {  	[tilespmem:s21+$0x50] =	vst v4  }
0x6c: {  	[tilespmem:s21+$0x60] =	vst v5;
	s21 =	sshrl.u32 @!p1 s23, $0x3  }
0x6d: {  	[hbm4b:s31+s4] =	stream.linear.scatter [tilespmem:s14], [sflag:$0x3], $0x1400, $0x38;
	[tilespmem:$0x1FF00] =	vst v63  }
0x6e: {  	s21 =	sadd.s32 @!p1 s2, s21  }
0x6f: {  	s24 =	simm.s32 @!p1 $0x18700;
	s23 =	simm.s32 @!p1 $0x0;
	s21 =	sadd.s32 @!p1 $0x14000, s21  }
0x70: {  	[tilespmem:s24], [sflag:$0x1] =	stream.linear.gather @!p1 [hbm4b:s21+s23], $0x2800, $0x38;
	[tilespmem:$0x1FF00] =	vst v63  }
0x71: {  	s21 =	sor.u32 $0x20, s22  }
0x72: {  	p1 =	sgt.u32 s21, $0x4E1  }
.Ltmp5:
0x73: {  	_ = 	snop;
	(pc) =	sbr.rel @p1 .LBB2_8-.Ltmp5, $1  }
0x74: {  	_ =	sdelay $0x3  }
0x75: {  	_ =	swait.ge [sflag:s15], $0x2800  }
0x76: {  	[sflag:s15] =	ssyncset.done $0x0  }
0x77: {  	s22 =	simm.s32 @!p0 $0x4;
	[sflag:s15] =	ssyncadd.s32 $0xFFFFD800  }
0x78: {  	_ =	swait.ge @!p0 [sflag:s22], $0x1400  }
0x79: {  	[sflag:s22] =	ssyncset.done @!p0 $0x0  }
0x7a: {  	s31 =	simm.s32 $0x1B000;
	[sflag:s22] =	ssyncadd.s32 @!p0 $0xFFFFEC00  }
0x7b: {  	v0 =	vld [tilespmem:s31+$0x70]  }
0x7c: {  	v1 =	vld [tilespmem:s31+$0xFFFFFF10]  }
0x7d: {  	v2 =	vld [tilespmem:s31+$0xFFFFFF20]  }
0x7e: {  	v3 =	vld [tilespmem:s31+$0xFFFFFF30]  }
0x7f: {  	v4 =	vld [tilespmem:s31+$0xFFFFFF40]  }
0x80: {  	v5 =	vld [tilespmem:s31+$0xFFFFFF50]  }
0x81: {  	v6 =	vld [tilespmem:s31+$0xFFFFFF60]  }
0x82: {  	v7 =	vld [tilespmem:s31+$0xFFFFFF70]  }
0x83: {  	v8 =	vld [tilespmem:s31+$0x0]  }
0x84: {  	v9 =	vld [tilespmem:s31+$0x10]  }
0x85: {  	v10 =	vld [tilespmem:s31+$0x20]  }
0x86: {  	v11 =	vld [tilespmem:s31+$0x30]  }
0x87: {  	v12 =	vld [tilespmem:s31+$0x40]  }
0x88: {  	v13 =	vld [tilespmem:s31+$0x50]  }
0x89: {  	v14 =	vld [tilespmem:s31+$0x60]  }
0x8a: {  	v15 =	vld [tilespmem:s31+$0xFFFFFF00]  }
0x8b: {  	v0 =	vld.idx.msk [tilespmem:v0+s4+$0x0], $0xffff  }
0x8c: {  	v1 =	vld.idx.msk [tilespmem:v1+s4+$0x0], $0xffff  }
0x8d: {  	v2 =	vld.idx.msk [tilespmem:v2+s4+$0x0], $0xffff  }
0x8e: {  	v3 =	vld.idx.msk [tilespmem:v3+s4+$0x0], $0xffff  }
0x8f: {  	v4 =	vld.idx.msk [tilespmem:v4+s4+$0x0], $0xffff  }
0x90: {  	s22 =	simm.s32 $0x1EB80;
	v5 =	vld.idx.msk [tilespmem:v5+s4+$0x0], $0xffff  }
0x91: {  	v6 =	vld.idx.msk [tilespmem:v6+s4+$0x0], $0xffff;
	[tilespmem:s22+$0x70] =	vst v0  }
0x92: {  	v7 =	vld.idx.msk [tilespmem:v7+s4+$0x0], $0xffff;
	[tilespmem:s22+$0xFFFFFF90] =	vst v1  }
0x93: {  	v15 =	vld.idx.msk [tilespmem:v15+s4+$0x0], $0xffff;
	[tilespmem:s22+$0xFFFFFFA0] =	vst v2  }
0x94: {  	v8 =	vld.idx.msk [tilespmem:v8+s4+$0x0], $0xffff;
	[tilespmem:s22+$0xFFFFFFB0] =	vst v3  }
0x95: {  	[tilespmem:s22+$0xFFFFFFC0] =	vst v4;
	v0 =	vld.idx.msk [tilespmem:v9+s4+$0x0], $0xffff  }
0x96: {  	[tilespmem:s22+$0xFFFFFFD0] =	vst v5;
	v1 =	vld.idx.msk [tilespmem:v10+s4+$0x0], $0xffff  }
0x97: {  	[tilespmem:s22+$0xFFFFFFE0] =	vst v6;
	v2 =	vld.idx.msk [tilespmem:v11+s4+$0x0], $0xffff  }
0x98: {  	[tilespmem:s22+$0xFFFFFFF0] =	vst v7;
	v3 =	vld.idx.msk [tilespmem:v12+s4+$0x0], $0xffff  }
0x99: {  	[tilespmem:s22+$0xFFFFFF80] =	vst v15;
	v4 =	vld.idx.msk [tilespmem:v13+s4+$0x0], $0xffff  }
0x9a: {  	s23 =	simm.s32 $0x0;
	s24 =	simm.s32 $0x1B200;
	[tilespmem:s22+$0x0] =	vst v8;
	v5 =	vld.idx.msk [tilespmem:v14+s4+$0x0], $0xffff  }
.LBB2_6:
0x9b: {  	v6 =	vld [tilespmem:s24+$0x70];
	s23 =	sadd.s32 $0x100, s23;
	[tilespmem:s22+$0x10] =	vst v0  }
0x9c: {  	v0 =	vld [tilespmem:s24+$0xFFFFFF10];
	p0 =	slt.u32 s23, $0x1300;
	[tilespmem:s22+$0x20] =	vst v1  }
0x9d: {  	v1 =	vld [tilespmem:s24+$0xFFFFFF20];
	[tilespmem:s22+$0x30] =	vst v2  }
0x9e: {  	v2 =	vld [tilespmem:s24+$0xFFFFFF30];
	[tilespmem:s22+$0x40] =	vst v3  }
0x9f: {  	v3 =	vld [tilespmem:s24+$0xFFFFFF40];
	[tilespmem:s22+$0x50] =	vst v4  }
0xa0: {  	v4 =	vld [tilespmem:s24+$0xFFFFFF50];
	[tilespmem:s22+$0x60] =	vst v5  }
0xa1: {  	v5 =	vld [tilespmem:s24+$0xFFFFFF60]  }
0xa2: {  	v7 =	vld [tilespmem:s24+$0xFFFFFF70]  }
0xa3: {  	v6 =	vld.idx.msk [tilespmem:v6+s4+$0x0], $0xffff  }
0xa4: {  	v8 =	vld [tilespmem:s24+$0x0]  }
0xa5: {  	v9 =	vld [tilespmem:s24+$0x10]  }
0xa6: {  	v10 =	vld [tilespmem:s24+$0x20]  }
0xa7: {  	v11 =	vld [tilespmem:s24+$0x30]  }
0xa8: {  	s22 =	sadd.s32 $0x100, s22;
	v12 =	vld [tilespmem:s24+$0x40]  }
0xa9: {  	v13 =	vld [tilespmem:s24+$0x50];
	[tilespmem:s22+$0x70] =	vst v6  }
0xaa: {  	v6 =	vld [tilespmem:s24+$0x60]  }
0xab: {  	v14 =	vld [tilespmem:s24+$0xFFFFFF00]  }
0xac: {  	v0 =	vld.idx.msk [tilespmem:v0+s4+$0x0], $0xffff  }
0xad: {  	v1 =	vld.idx.msk [tilespmem:v1+s4+$0x0], $0xffff  }
0xae: {  	v2 =	vld.idx.msk [tilespmem:v2+s4+$0x0], $0xffff  }
0xaf: {  	v3 =	vld.idx.msk [tilespmem:v3+s4+$0x0], $0xffff  }
0xb0: {  	v4 =	vld.idx.msk [tilespmem:v4+s4+$0x0], $0xffff  }
0xb1: {  	v5 =	vld.idx.msk [tilespmem:v5+s4+$0x0], $0xffff  }
0xb2: {  	[tilespmem:s22+$0xFFFFFF90] =	vst v0;
	v7 =	vld.idx.msk [tilespmem:v7+s4+$0x0], $0xffff  }
0xb3: {  	v14 =	vld.idx.msk [tilespmem:v14+s4+$0x0], $0xffff;
	[tilespmem:s22+$0xFFFFFFA0] =	vst v1  }
0xb4: {  	[tilespmem:s22+$0xFFFFFFB0] =	vst v2;
	v8 =	vld.idx.msk [tilespmem:v8+s4+$0x0], $0xffff  }
0xb5: {  	[tilespmem:s22+$0xFFFFFFC0] =	vst v3;
	v0 =	vld.idx.msk [tilespmem:v9+s4+$0x0], $0xffff  }
.Ltmp6:
0xb6: {  	[tilespmem:s22+$0xFFFFFFD0] =	vst v4;
	v1 =	vld.idx.msk [tilespmem:v10+s4+$0x0], $0xffff;
	(pc) =	sbr.rel @p0 .LBB2_6-.Ltmp6, $4  }
0xb7: {  	[tilespmem:s22+$0xFFFFFFE0] =	vst v5;
	v2 =	vld.idx.msk [tilespmem:v11+s4+$0x0], $0xffff  }
0xb8: {  	[tilespmem:s22+$0xFFFFFFF0] =	vst v7;
	v3 =	vld.idx.msk [tilespmem:v12+s4+$0x0], $0xffff  }
0xb9: {  	[tilespmem:s22+$0xFFFFFF80] =	vst v14;
	v4 =	vld.idx.msk [tilespmem:v13+s4+$0x0], $0xffff  }
0xba: {  	s24 =	sadd.s32 $0x200, s24;
	[tilespmem:s22+$0x0] =	vst v8;
	v5 =	vld.idx.msk [tilespmem:v6+s4+$0x0], $0xffff  }
0xbb: {  	[tilespmem:s22+$0x10] =	vst v0  }
0xbc: {  	[tilespmem:s22+$0x20] =	vst v1;
	s23 =	smul.u32 $0x280, s21;
	p0 =	sgt.u32 s21, $0x4A1  }
0xbd: {  	[tilespmem:s22+$0x30] =	vst v2;
	s21 =	smul.u32 @!p0 $0x2800, s21  }
0xbe: {  	[tilespmem:s22+$0x40] =	vst v3  }
.Ltmp7:
0xbf: {  	[tilespmem:s22+$0x50] =	vst v4;
	s21 =	sshrl.u32 @!p0 s21, $0x3;
	(pc) =	sbr.rel .LBB2_8-.Ltmp7, $4  }
0xc0: {  	s31 =	sadd.s32 s3, s23;
	[tilespmem:s22+$0x60] =	vst v5;
	s21 =	sadd.s32 @!p0 s2, s21  }
0xc1: {  	[hbm4b:s31+s4] =	stream.linear.scatter [tilespmem:s16], [sflag:$0x4], $0x1400, $0x38;
	[tilespmem:$0x1FF00] =	vst v63  }
0xc2: {  	s23 =	simm.s32 @!p0 $0x1AF00;
	s22 =	simm.s32 @!p0 $0x0;
	s21 =	sadd.s32 @!p0 $0x14000, s21  }
0xc3: {  	[tilespmem:s23], [sflag:$0x2] =	stream.linear.gather @!p0 [hbm4b:s21+s22], $0x2800, $0x38;
	[tilespmem:$0x1FF00] =	vst v63  }
.LBB2_10:
0xc4: {  	_ =	sfence.sel $0x180000  }
0xc5: {  	[bflag:$0x0] =	sbarrier.arrive $0xFFFF  }
0xc6: {  	p0 =	sne.s32 s0, $0x0;
	_ =	strace $0x90000047  }
0xc7: {  	s0 =	sadd.s32 @!p0 $0x100000, s1;
	[bflag:$0x2] =	sbarrier.arrive $0xFFFF  }
0xc8: {  	[sflag:s0] =	ssyncadd.tile.s32 @!p0 $0x1;
	_ =	shalt  }
.Lfunc_end2:
_tile_overlayer_lowered:
.L_overlay_start_2:
0xc9: {  	(tag) =	ssettag $0x2  }
0xca: {  	s0 =	rddreg [dreg:$0x0];
	s2 =	stileid.u32  }
0xcb: {  	s1 =	rddreg [dreg:$0x1];
	p0 =	sne.s32 s2, $0x0  }
0xcc: {  	s3 =	rddreg [dreg:$0x2];
	[bflag:$0x3] =	sbarrier.arrive $0xFFFF;
	s2 =	simm.s32 @!p0 $0x1C05  }
0xcd: {  	[timem:s3], [sflag:s2] =	dma.local @!p0 [hbm:s0], s1  }
0xce: {  	s0 =	simm.s32 @!p0 $0x5  }
0xcf: {  	_ =	swait.ge @!p0 [sflag:s0], s1  }
0xd0: {  	s1 =	ssub.s32 @!p0 $0x0, s1;
	[sflag:s0] =	ssyncset.done @!p0 $0x0  }
0xd1: {  	[sflag:s0] =	ssyncadd.s32 @!p0 s1  }
0xd2: {  	[bflag:$0x3] =	sbarrier.arrive $0xFFFF  }
0xd3: {  	_ =	shalt  }

</sc_bundles>
